<compile_context>
chip_gen: v7x
topology: tpu7x:2x2x1
jax: 0.10.2.dev20260603
libtpu: 0.0.44.dev20260713+nightly
codegen_flags: <defaults>
</compile_context>

<pallas_src>
import jax
import jax.numpy as jnp
from jax.experimental import pallas as pl


def _gcn_body(xp_ref, xc_ref, xn_ref, w_ref, vp_ref, vc_ref, vn_ref, o_ref,
              *, im_w):
    k = pl.program_id(0)
    g = pl.num_programs(0)

    xs = jnp.concatenate([xp_ref[...], xc_ref[...], xn_ref[...]], axis=1)
    a = jax.lax.dot_general(
        w_ref[...], xs,
        (((0,), (0,)), ((), ())),
        preferred_element_type=jnp.float32,
    )

    top = jnp.where(k > 0, 1.0, 0.0).astype(jnp.float32)
    bot = jnp.where(k < g - 1, 1.0, 0.0).astype(jnp.float32)
    dv = jnp.sqrt(jnp.concatenate(
        [vp_ref[...] * top, vc_ref[...], vn_ref[...] * bot], axis=1))

    az = a * dv
    m = az.shape[1]
    jpos = jax.lax.broadcasted_iota(jnp.int32, (1, m), 1) % im_w
    left = jnp.where(jpos == 0, 0.0, jnp.pad(az, ((0, 0), (1, 0)))[:, :m])
    right = jnp.where(jpos == im_w - 1, 0.0, jnp.pad(az, ((0, 0), (0, 1)))[:, 1:])
    b1 = az + left + right
    s = b1[:, im_w:m - im_w] + b1[:, :m - 2 * im_w] + b1[:, 2 * im_w:]
    o_ref[...] = s * dv[:, im_w:m - im_w]


def kernel(x, weight, row, col, val):
    del row, col
    b, c, h, w = x.shape
    d = weight.shape[-1]
    n = h * w
    xs = x.reshape(c, n)
    wm = weight.reshape(c, d)
    vself = val[val.shape[0] - n:].reshape(1, n)

    bi = 32
    mm = bi * w
    g = h // bi
    nb = n // w

    import functools
    body = functools.partial(_gcn_body, im_w=w)

    out = pl.pallas_call(
        body,
        grid=(g,),
        in_specs=[
            pl.BlockSpec((c, w), lambda k: (0, jnp.maximum(k * bi - 1, 0))),
            pl.BlockSpec((c, mm), lambda k: (0, k)),
            pl.BlockSpec((c, w), lambda k: (0, jnp.minimum(k * bi + bi, nb - 1))),
            pl.BlockSpec((c, d), lambda k: (0, 0)),
            pl.BlockSpec((1, w), lambda k: (0, jnp.maximum(k * bi - 1, 0))),
            pl.BlockSpec((1, mm), lambda k: (0, k)),
            pl.BlockSpec((1, w), lambda k: (0, jnp.minimum(k * bi + bi, nb - 1))),
        ],
        out_specs=pl.BlockSpec((d, mm), lambda k: (0, k)),
        out_shape=jax.ShapeDtypeStruct((d, n), jnp.float32),
    )(xs, xs, xs, wm, vself, vself, vself)

    return out.reshape(b, d, w, h)

# --- scband reference (transcript-rebuilt; emitter-appended) ---
"""Pipeline reference for scband-gcn-layer-25812753448978 (READ-ONLY COPY).

The authoritative reference and input builder live on the scoring server;
editing this copy changes nothing except your own understanding.
"""

import jax, jax.numpy as jnp
import numpy as np


def _build_support(nums, dims):
    # Recreates create_adj (8-neighbor grid) + preprocess_adj (add self-loops,
    # symmetric D^-1/2 A D^-1/2 normalization) as COO arrays.
    ii, jj = np.meshgrid(np.arange(nums), np.arange(dims), indexing='ij')
    ii = ii.ravel(); jj = jj.ravel()
    rows = []; cols = []
    for di, dj in [(-1, 0), (0, -1), (1, 0), (0, 1), (-1, -1), (-1, 1), (1, -1), (1, 1)]:
        ni = ii + di; nj = jj + dj
        m = (ni >= 0) & (ni < nums) & (nj >= 0) & (nj < dims)
        rows.append((ii * dims + jj)[m])
        cols.append((ni * dims + nj)[m])
    N = nums * dims
    row = np.concatenate(rows + [np.arange(N)])
    col = np.concatenate(cols + [np.arange(N)])
    deg = np.bincount(row, minlength=N).astype(np.float64)
    d_inv_sqrt = 1.0 / np.sqrt(deg)
    # A is symmetric so D^-1/2 A^T D^-1/2 == D^-1/2 A D^-1/2
    val = (d_inv_sqrt[row] * d_inv_sqrt[col]).astype(np.float32)
    return row.astype(np.int32), col.astype(np.int32), val, N


def setup_inputs(seed: int = 0) -> dict:
    key = jax.random.key(seed)
    nums, dims = 256, 256  # width, height from init_kwargs
    row, col, val, _ = _build_support(nums, dims)
    x = jax.random.normal(jax.random.fold_in(key, 0), (1, 128, 256, 256), dtype=jnp.float32)
    weight = jax.random.normal(jax.random.fold_in(key, 1), (1, 128, 128), dtype=jnp.float32)
    return {
        'x': x,
        'weight': weight,
        'row': jnp.asarray(row),
        'col': jnp.asarray(col),
        'val': jnp.asarray(val),
    }


def reference(x, weight, row, col, val):
    # GCN_Layer.forward in eval mode (dropout inactive, is_relu=False)
    B, C, H, W = x.shape
    N = H * W
    out_dim = weight.shape[-1]
    x1 = jnp.transpose(x, (0, 2, 3, 1)).reshape(B, N, C)
    xw = jnp.matmul(x1, weight)  # [B, N, out_dim], weight broadcasts over batch
    # sparse.mm(support, xw[b]) per batch: out[r] += val * xw[c]
    gathered = jnp.take(xw, col, axis=1) * val[None, :, None]  # [B, E, out_dim]
    out_nodes = jax.vmap(lambda g: jax.ops.segment_sum(g, row, num_segments=N))(gathered)
    out = jnp.transpose(out_nodes, (0, 2, 1)).reshape(B, out_dim, W, H)
    return out

if __name__ == "__main__":
    import jax
    _d = setup_inputs()
    print(jax.jit(kernel)(*tuple(_d.values())))

</pallas_src>

<mosaic_0001>
module attributes {stable_mosaic.version = 14 : i64} {
  func.func @_gcn_body(%arg0: i32, %arg1: memref<128x256xf32, #tpu.memory_space<vmem>>, %arg2: memref<128x8192xf32, #tpu.memory_space<vmem>>, %arg3: memref<128x256xf32, #tpu.memory_space<vmem>>, %arg4: memref<128x128xf32, #tpu.memory_space<vmem>>, %arg5: memref<1x256xf32, #tpu.memory_space<vmem>>, %arg6: memref<1x8192xf32, #tpu.memory_space<vmem>>, %arg7: memref<1x256xf32, #tpu.memory_space<vmem>>, %arg8: memref<128x8192xf32, #tpu.memory_space<vmem>>) attributes {dimension_semantics = [#tpu.dimension_semantics<arbitrary>], iteration_bounds = array<i64: 8>, scalar_prefetch = 0 : i64, scratch_operands = 0 : i64, tpu.core_type = #tpu.core_type<tc>, window_params = [{transform_indices = @transform_0, window_bounds = array<i64: 128, 256>}, {transform_indices = @transform_1, window_bounds = array<i64: 128, 8192>}, {transform_indices = @transform_2, window_bounds = array<i64: 128, 256>}, {pipeline_mode = #tpu.pipeline_mode<synchronous>, transform_indices = @transform_3, window_bounds = array<i64: 128, 128>}, {transform_indices = @transform_4, window_bounds = array<i64: 1, 256>}, {transform_indices = @transform_5, window_bounds = array<i64: 1, 8192>}, {transform_indices = @transform_6, window_bounds = array<i64: 1, 256>}, {transform_indices = @transform_7, window_bounds = array<i64: 128, 8192>}]} {
    %get3A = arith.constant 0 : index
    %get3A_0 = arith.constant 0 : index
    %get3A_1 = vector.load %arg1[%get3A, %get3A_0] : memref<128x256xf32, #tpu.memory_space<vmem>>, vector<128x256xf32>
    %get3A_2 = arith.constant 0 : index
    %get3A_3 = arith.constant 0 : index
    %get3A_4 = vector.load %arg2[%get3A_2, %get3A_3] : memref<128x8192xf32, #tpu.memory_space<vmem>>, vector<128x8192xf32>
    %get3A_5 = arith.constant 0 : index
    %get3A_6 = arith.constant 0 : index
    %get3A_7 = vector.load %arg3[%get3A_5, %get3A_6] : memref<128x256xf32, #tpu.memory_space<vmem>>, vector<128x256xf32>
    %concatenate3A = tpu.concatenate %get3A_1, %get3A_4, %get3A_7 in 1 : vector<128x256xf32>, vector<128x8192xf32>, vector<128x256xf32> -> vector<128x8704xf32>
    %get3A_8 = arith.constant 0 : index
    %get3A_9 = arith.constant 0 : index
    %get3A_10 = vector.load %arg4[%get3A_8, %get3A_9] : memref<128x128xf32, #tpu.memory_space<vmem>>, vector<128x128xf32>
    %dot_general3A = arith.constant dense<0.000000e+00> : vector<128x8704xf32>
    %dot_general3A_11 = tpu.matmul %get3A_10, %concatenate3A, %dot_general3A {dimension_numbers = #tpu.dot_dimension_numbers<[0], [0], [1], [1], [0, 1, 1, 1], [], []>, transpose_lhs_hint = false} : vector<128x128xf32>, vector<128x8704xf32>, vector<128x8704xf32> -> vector<128x8704xf32>
    %gt3A = arith.constant 0 : i32
    %gt3A_12 = arith.cmpi sgt, %arg0, %gt3A : i32
    %jit3A = arith.constant 1.000000e+00 : f32
    %jit3A_13 = arith.constant 0.000000e+00 : f32
    %select_n3A = arith.select %gt3A_12, %jit3A, %jit3A_13 : f32
    %lt3A = arith.constant 7 : i32
    %lt3A_14 = arith.cmpi slt, %arg0, %lt3A : i32
    %jit3A_15 = arith.constant 1.000000e+00 : f32
    %jit3A_16 = arith.constant 0.000000e+00 : f32
    %select_n3A_17 = arith.select %lt3A_14, %jit3A_15, %jit3A_16 : f32
    %get3A_18 = arith.constant 0 : index
    %get3A_19 = arith.constant 0 : index
    %get3A_20 = vector.load %arg5[%get3A_18, %get3A_19] : memref<1x256xf32, #tpu.memory_space<vmem>>, vector<1x256xf32>
    %mul3A = vector.broadcast %select_n3A : f32 to vector<1x256xf32>
    %mul3A_21 = arith.mulf %get3A_20, %mul3A : vector<1x256xf32>
    %get3A_22 = arith.constant 0 : index
    %get3A_23 = arith.constant 0 : index
    %get3A_24 = vector.load %arg6[%get3A_22, %get3A_23] : memref<1x8192xf32, #tpu.memory_space<vmem>>, vector<1x8192xf32>
    %get3A_25 = arith.constant 0 : index
    %get3A_26 = arith.constant 0 : index
    %get3A_27 = vector.load %arg7[%get3A_25, %get3A_26] : memref<1x256xf32, #tpu.memory_space<vmem>>, vector<1x256xf32>
    %mul3A_28 = vector.broadcast %select_n3A_17 : f32 to vector<1x256xf32>
    %mul3A_29 = arith.mulf %get3A_27, %mul3A_28 : vector<1x256xf32>
    %concatenate3A_30 = tpu.concatenate %mul3A_21, %get3A_24, %mul3A_29 in 1 : vector<1x256xf32>, vector<1x8192xf32>, vector<1x256xf32> -> vector<1x8704xf32>
    %sqrt3A = math.sqrt %concatenate3A_30 : vector<1x8704xf32>
    %mul3A_31 = vector.broadcast %sqrt3A : vector<1x8704xf32> to vector<128x8704xf32>
    %mul3A_32 = arith.mulf %dot_general3A_11, %mul3A_31 : vector<128x8704xf32>
    %iota3A = tpu.iota {dimensions = array<i32: 1>} : vector<1x8704xi32>
    %jit3A_33 = arith.constant 256 : i32
    %eq3A = arith.constant 0 : i32
    %eq3A_34 = arith.cmpi eq, %jit3A_33, %eq3A : i32
    %jit3A_35 = arith.constant 1 : i32
    %select_n3A_36 = arith.select %eq3A_34, %jit3A_35, %jit3A_33 : i32
    %rem3A = vector.broadcast %select_n3A_36 : i32 to vector<1x8704xi32>
    %rem3A_37 = arith.remsi %iota3A, %rem3A : vector<1x8704xi32>
    %ne3A = arith.constant 0 : i32
    %ne3A_38 = vector.broadcast %ne3A : i32 to vector<1x8704xi32>
    %ne3A_39 = arith.cmpi ne, %rem3A_37, %ne3A_38 : vector<1x8704xi32>
    %lt3A_40 = arith.constant 0 : i32
    %lt3A_41 = vector.broadcast %lt3A_40 : i32 to vector<1x8704xi32>
    %lt3A_42 = arith.cmpi slt, %rem3A_37, %lt3A_41 : vector<1x8704xi32>
    %lt3A_43 = arith.constant 0 : i32
    %lt3A_44 = arith.cmpi slt, %select_n3A_36, %lt3A_43 : i32
    %ne3A_45 = vector.broadcast %lt3A_44 : i1 to vector<1x8704xi1>
    %ne3A_46 = vector.broadcast %ne3A_45 : vector<1x8704xi1> to vector<1x8704xi1>
    %ne3A_47 = arith.xori %lt3A_42, %ne3A_46 : vector<1x8704xi1>
    %and3A = arith.andi %ne3A_47, %ne3A_39 : vector<1x8704xi1>
    %add3A = vector.broadcast %select_n3A_36 : i32 to vector<1x8704xi32>
    %add3A_48 = arith.addi %rem3A_37, %add3A : vector<1x8704xi32>
    %select_n3A_49 = arith.select %and3A, %add3A_48, %rem3A_37 : vector<1x8704xi1>, vector<1x8704xi32>
    %eq3A_50 = arith.constant 0 : i32
    %eq3A_51 = vector.broadcast %eq3A_50 : i32 to vector<1x8704xi32>
    %eq3A_52 = arith.cmpi eq, %select_n3A_49, %eq3A_51 : vector<1x8704xi32>
    %jit3A_53 = arith.constant 0 : i32
    %convert_element_type3A = arith.sitofp %jit3A_53 : i32 to f32
    %pad3A = vector.broadcast %convert_element_type3A : f32 to vector<128x1xf32>
    %pad3A_54 = tpu.concatenate %pad3A, %mul3A_32 in 1 : vector<128x1xf32>, vector<128x8704xf32> -> vector<128x8705xf32>
    %slice3A = vector.extract_strided_slice %pad3A_54 {offsets = [0, 0], sizes = [128, 8704], strides = [1, 1]} : vector<128x8705xf32> to vector<128x8704xf32>
    %jit3A_55 = arith.constant 0.000000e+00 : f32
    %broadcast_in_dim3A = vector.shape_cast %eq3A_52 : vector<1x8704xi1> to vector<1x8704xi1>
    %broadcast_in_dim3A_56 = vector.broadcast %broadcast_in_dim3A : vector<1x8704xi1> to vector<128x8704xi1>
    %broadcast_in_dim3A_57 = vector.broadcast %jit3A_55 : f32 to vector<128x8704xf32>
    %select_n3A_58 = arith.select %broadcast_in_dim3A_56, %broadcast_in_dim3A_57, %slice3A : vector<128x8704xi1>, vector<128x8704xf32>
    %eq3A_59 = arith.constant 255 : i32
    %eq3A_60 = vector.broadcast %eq3A_59 : i32 to vector<1x8704xi32>
    %eq3A_61 = arith.cmpi eq, %select_n3A_49, %eq3A_60 : vector<1x8704xi32>
    %jit3A_62 = arith.constant 0 : i32
    %convert_element_type3A_63 = arith.sitofp %jit3A_62 : i32 to f32
    %pad3A_64 = vector.broadcast %convert_element_type3A_63 : f32 to vector<128x1xf32>
    %pad3A_65 = tpu.concatenate %mul3A_32, %pad3A_64 in 1 : vector<128x8704xf32>, vector<128x1xf32> -> vector<128x8705xf32>
    %slice3A_66 = vector.extract_strided_slice %pad3A_65 {offsets = [0, 1], sizes = [128, 8704], strides = [1, 1]} : vector<128x8705xf32> to vector<128x8704xf32>
    %jit3A_67 = arith.constant 0.000000e+00 : f32
    %broadcast_in_dim3A_68 = vector.shape_cast %eq3A_61 : vector<1x8704xi1> to vector<1x8704xi1>
    %broadcast_in_dim3A_69 = vector.broadcast %broadcast_in_dim3A_68 : vector<1x8704xi1> to vector<128x8704xi1>
    %broadcast_in_dim3A_70 = vector.broadcast %jit3A_67 : f32 to vector<128x8704xf32>
    %select_n3A_71 = arith.select %broadcast_in_dim3A_69, %broadcast_in_dim3A_70, %slice3A_66 : vector<128x8704xi1>, vector<128x8704xf32>
    %add3A_72 = arith.addf %mul3A_32, %select_n3A_58 : vector<128x8704xf32>
    %add3A_73 = arith.addf %add3A_72, %select_n3A_71 : vector<128x8704xf32>
    %slice3A_74 = vector.extract_strided_slice %add3A_73 {offsets = [0, 256], sizes = [128, 8192], strides = [1, 1]} : vector<128x8704xf32> to vector<128x8192xf32>
    %slice3A_75 = vector.extract_strided_slice %add3A_73 {offsets = [0, 0], sizes = [128, 8192], strides = [1, 1]} : vector<128x8704xf32> to vector<128x8192xf32>
    %add3A_76 = arith.addf %slice3A_74, %slice3A_75 : vector<128x8192xf32>
    %slice3A_77 = vector.extract_strided_slice %add3A_73 {offsets = [0, 512], sizes = [128, 8192], strides = [1, 1]} : vector<128x8704xf32> to vector<128x8192xf32>
    %add3A_78 = arith.addf %add3A_76, %slice3A_77 : vector<128x8192xf32>
    %slice3A_79 = vector.extract_strided_slice %sqrt3A {offsets = [0, 256], sizes = [1, 8192], strides = [1, 1]} : vector<1x8704xf32> to vector<1x8192xf32>
    %mul3A_80 = vector.broadcast %slice3A_79 : vector<1x8192xf32> to vector<128x8192xf32>
    %mul3A_81 = arith.mulf %add3A_78, %mul3A_80 : vector<128x8192xf32>
    %swap3A = arith.constant 0 : index
    %swap3A_82 = arith.constant 0 : index
    %swap3A_83 = vector.load %arg8[%swap3A, %swap3A_82] : memref<128x8192xf32, #tpu.memory_space<vmem>>, vector<128x8192xf32>
    tpu.vector_store %arg8[%swap3A, %swap3A_82], %mul3A_81 {strides = array<i32>} : memref<128x8192xf32, #tpu.memory_space<vmem>>, vector<128x8192xf32>,
    return
  }
  func.func @transform_0(%arg0: i32) -> (i32, i32) {
    %mul3A = arith.constant 32 : i32
    %mul3A_0 = arith.muli %arg0, %mul3A : i32
    %sub3A = arith.constant 1 : i32
    %sub3A_1 = arith.subi %mul3A_0, %sub3A : i32
    %max3A = arith.constant 0 : i32
    %max3A_2 = arith.maxsi %sub3A_1, %max3A : i32
    %c0_i32 = arith.constant 0 : i32
    %c0_i32_3 = arith.constant 0 : i32
    return %c0_i32, %max3A_2 : i32, i32
  }
  func.func @transform_1(%arg0: i32) -> (i32, i32) {
    %c0_i32 = arith.constant 0 : i32
    %c0_i32_0 = arith.constant 0 : i32
    return %c0_i32, %arg0 : i32, i32
  }
  func.func @transform_2(%arg0: i32) -> (i32, i32) {
    %mul3A = arith.constant 32 : i32
    %mul3A_0 = arith.muli %arg0, %mul3A : i32
    %add3A = arith.constant 32 : i32
    %add3A_1 = arith.addi %mul3A_0, %add3A : i32
    %min3A = arith.constant 255 : i32
    %min3A_2 = arith.minsi %add3A_1, %min3A : i32
    %c0_i32 = arith.constant 0 : i32
    %c0_i32_3 = arith.constant 0 : i32
    return %c0_i32, %min3A_2 : i32, i32
  }
  func.func @transform_3(%arg0: i32) -> (i32, i32) {
    %c0_i32 = arith.constant 0 : i32
    %c0_i32_0 = arith.constant 0 : i32
    %c0_i32_1 = arith.constant 0 : i32
    return %c0_i32, %c0_i32_0 : i32, i32
  }
  func.func @transform_4(%arg0: i32) -> (i32, i32) {
    %mul3A = arith.constant 32 : i32
    %mul3A_0 = arith.muli %arg0, %mul3A : i32
    %sub3A = arith.constant 1 : i32
    %sub3A_1 = arith.subi %mul3A_0, %sub3A : i32
    %max3A = arith.constant 0 : i32
    %max3A_2 = arith.maxsi %sub3A_1, %max3A : i32
    %c0_i32 = arith.constant 0 : i32
    %c0_i32_3 = arith.constant 0 : i32
    return %c0_i32, %max3A_2 : i32, i32
  }
  func.func @transform_5(%arg0: i32) -> (i32, i32) {
    %c0_i32 = arith.constant 0 : i32
    %c0_i32_0 = arith.constant 0 : i32
    return %c0_i32, %arg0 : i32, i32
  }
  func.func @transform_6(%arg0: i32) -> (i32, i32) {
    %mul3A = arith.constant 32 : i32
    %mul3A_0 = arith.muli %arg0, %mul3A : i32
    %add3A = arith.constant 32 : i32
    %add3A_1 = arith.addi %mul3A_0, %add3A : i32
    %min3A = arith.constant 255 : i32
    %min3A_2 = arith.minsi %add3A_1, %min3A : i32
    %c0_i32 = arith.constant 0 : i32
    %c0_i32_3 = arith.constant 0 : i32
    return %c0_i32, %min3A_2 : i32, i32
  }
  func.func @transform_7(%arg0: i32) -> (i32, i32) {
    %c0_i32 = arith.constant 0 : i32
    %c0_i32_0 = arith.constant 0 : i32
    return %c0_i32, %arg0 : i32, i32
  }
}

</mosaic_0001>

<sc_bundles>
// kernel: sparse-core-data-format-call.1.cloned.1.call-start
scs
called_computation.1_lowered:
.L_overlay_start_0:
0x0: {  	s2 =	sld [smem:$0x3FD9]  }
0x1: {  	s3 =	sld [smem:$0x3FFE];
	_ =	sdelay $0x1  }
0x2: {  	s1 =	srdreg.scid  }
0x3: {  	s0 =	sand.u32 $0x1, s1  }
0x4: {  	s19 =	sshll.u32 s0, $0xA;
	s2 =	sadd.s32 s3, s2  }
0x5: {  	s2 =	sadd.s32 s2, s19  }
0x6: {  	[smem:$0x3FC5] =	sst s2  }
0x7: {  	_ = 	snop  }
0x8: {  	s2 =	sld [smem:$0x3FC9]  }
0x9: {  	s20 =	sld [smem:$0x3FD0];
	(tm) =	ssettm $0x1  }
0xa: {  	s4 =	sld [smem:$0x3FFB];
	_ =	sdelay $0x3  }
0xb: {  	_ =	strace s4  }
0xc: {  	s4 =	sld [smem:$0x3FFC];
	_ =	sdelay $0x3  }
0xd: {  	_ =	strace s4  }
0xe: {  	s4 =	sld [smem:$0x3FFD];
	_ =	sdelay $0x3  }
0xf: {  	_ =	strace s4  }
0x10: {  	_ =	strace $0x8FFFFFFF  }
0x11: {  	s21 =	sld [smem:$0x3FDB];
	_ =	sdelay $0x1  }
0x12: {  	s5 =	simm.s32 $_scs_section_size  }
0x13: {  	s6 =	simm.s32 $_size__tile_overlayer_lowered;
	s7 =	simm.s32 $_tile_overlayer_lowered  }
0x14: {  	s24 =	simm.s32 $0x1BFF;
	s23 =	sshll.u32 s7, $0x1;
	s4 =	sadd.s32 s5, s21  }
0x15: {  	s8 =	simm.s32 $0x0;
	s22 =	sshll.u32 s6, $0x1;
	s6 =	sadd.s32 s23, s4  }
0x16: {  	[timem:s8], [sflag:s24] =	dma.local [hbm:s6], s22  }
0x17: {  	_ =	swait.ge [sflag:s24], s22  }
0x18: {  	s5 =	ssub.s32 $0x0, s22;
	[sflag:s24] =	ssyncset.done $0x0  }
0x19: {  	[sflag:s24] =	ssyncadd.s32 s5;
	_ =	sdelay $0x1  }
0x1a: {  	s25 =	simm.s32 $0x1B8B  }
0x1b: {  	_ =	swait.ge [sflag:s25], $0x1  }
0x1c: {  	[sflag:s25] =	ssyncset.done $0x0  }
0x1d: {  	s26 =	simm.s32 $0x1B8E;
	[sflag:s25] =	ssyncadd.s32 $0xFFFFFFFF  }
0x1e: {  	s27 =	simm.s32 $execute0_lowered;
	[smem:$0x3FD2] =	sst s26  }
0x1f: {  	s5 =	sshll.u32 s27, $0x1;
	_ =	strace $0x80000046;
	[dreg:$0x1] =	wrdreg $0xFFFFFFFF  }
0x20: {  	s28 =	simm.s32 $_size_execute0_lowered;
	s4 =	sadd.s32 s4, s5;
	[dreg:$0x0] =	wrdreg $0x0  }
0x21: {  	s5 =	sshll.u32 s28, $0x1;
	[dreg:$0x2] =	wrdreg s4  }
0x22: {  	[dreg:$0x3] =	wrdreg s5  }
0x23: {  	[dreg:$0x4] =	wrdreg $0xC0  }
0x24: {  	_ =	task [dreg:s8], $0x5FFFF  }
0x25: {  	[dreg:$0x1] =	wrdreg $0xFFFFFFFF  }
0x26: {  	[dreg:$0x0] =	wrdreg $0x60  }
0x27: {  	[dreg:$0x2] =	wrdreg s2  }
0x28: {  	[dreg:$0x3] =	wrdreg s20  }
0x29: {  	[dreg:$0x4] =	wrdreg $0x9  }
0x2a: {  	_ =	task.clear_ibuf [dreg:s8], $0x5FFFF;
	_ =	strace $0x90000046  }
0x2b: {  	s29 =	simm.s32 $0x9;
	_ =	strace $0x80000048  }
0x2c: {  	_ =	swait.ge [sflag:s29], $0x1  }
0x2d: {  	[sflag:s29] =	ssyncadd.s32 $0xFFFFFFFF  }
0x2e: {  	_ =	strace $0x90000048  }
0x2f: {  	_ =	sfence  }
0x30: {  	s30 =	sld [smem:$0x0];
	_ =	sdelay $0x2  }
0x31: {  	s31 =	sshll.u32 s1, $0xD;
	s1 =	sshrl.u32 s1, $0x2  }
0x32: {  	s3 =	sand.u32 $0x4000, s31;
	s1 =	sadd.s32 s1, s30  }
0x33: {  	s0 =	sor.u32 s3, s0;
	s1 =	sshll.u32 s1, $0x11  }
0x34: {  	s0 =	sor.u32 s1, s0  }
0x35: {  	s0 =	sadd.s32 $0x8F2B, s0  }
0x36: {  	[sflag:s0] =	ssyncadd.remote.s32 $0x1  }
0x37: {  	_ =	sfence.sel $0xFFFF  }
0x38: {  	[dreg:$0x0] =	wrdreg $0xFFFFFFFF;
	(pc) =	sbr.abs _section_cstart, $3  }
0x39: {  	[dreg:$0x1] =	wrdreg $0xFFFFFFFF  }
0x3a: {  	_ =	task.clear_ibuf [dreg:s8], $0x2FFFF;
	_ =	strace $0x9FFFFFFF  }
0x3b: {  	(tm) =	ssettm $0x7FFFFFFF  }
tec
execute0_lowered:
.L_overlay_start_1:
0x0: {  	(tag) =	ssettag $0x1  }
0x1: {  	s2 =	rddreg [dreg:$0x0]  }
0x2: {  	s3 =	rddreg [dreg:$0x1];
	s1 =	srdreg.scid  }
0x3: {  	s0 =	rddreg [dreg:$0x2];
	_ =	strace $0x80000047;
	s5 =	simm.s32 $0x1  }
0x4: {  	s8 =	simm.s32 $0x2;
	s14 =	simm.s32 $0x0;
	p0 =	por $0x0, $0x0  }
0x5: {  	s15 =	simm.s32 $0x0;
	s17 =	simm.s32 $0x0;
	s16 =	simm.s32 $0x0  }
0x6: {  	s10 =	simm.s32 $0x0;
	s11 =	simm.s32 $0x0;
	s4 =	sand.u32 $0x1, s1  }
.Ltmp0:
0x7: {  	s13 =	stileid.u32;
	s6 =	ssub.s32 $0x8, s4;
	(pc) =	sbr.rel .LBB1_1-.Ltmp0, $4  }
0x8: {  	s1 =	stileid.u32;
	[sflag:s5] =	ssyncpa.u1 $0x0;
	s7 =	sshrl.u32 s6, $0x1  }
0x9: {  	[sflag:s8] =	ssyncpa.u1 $0x0;
	s8 =	simm.s32 $0x800;
	s9 =	sadd.s32 s4, s7  }
0xa: {  	s12 =	smov.u32 s4;
	s6 =	ssub.s32 s6, s7;
	s31 =	sshll.u32 s9, $0x2  }
0xb: {  	s6 =	sshll.u32 s6, $0x2;
	s9 =	simm.s32 $0x0;
	s7 =	ssub.s32 $0x22, s31  }
.LBB1_4:
0xc: {  	_ =	sdelay $0x3  }
0xd: {  	[tilespmem:v0+s20+$0xFFFFFFA0 ss:$0x1] =	vst.idx.msk $0xffff, v6  }
0xe: {  	v56 =	vld.idx.msk [tilespmem:v1+s19+$0x30 ss:$0x1], $0xffff;
	[tilespmem:v0+s20+$0xFFFFFFB0 ss:$0x1] =	vst.idx.msk $0xffff, v4  }
0xf: {  	v57 =	vld.idx.msk [tilespmem:v1+s19+$0xFFFFFFC0 ss:$0x1], $0xffff;
	[tilespmem:v0+s20+$0xFFFFFFC0 ss:$0x1] =	vst.idx.msk $0xffff, v2  }
0x10: {  	v58 =	vld.idx.msk [tilespmem:v1+s19+$0xFFFFFFD0 ss:$0x1], $0xffff;
	[tilespmem:v0+s20+$0xFFFFFFD0 ss:$0x1] =	vst.idx.msk $0xffff, v3  }
0x11: {  	v59 =	vld.idx.msk [tilespmem:v1+s19+$0xFFFFFFE0 ss:$0x1], $0xffff;
	[tilespmem:v0+s20+$0xFFFFFFE0 ss:$0x1] =	vst.idx.msk $0xffff, v5  }
0x12: {  	v60 =	vld.idx.msk [tilespmem:v1+s19+$0xFFFFFFF0 ss:$0x1], $0xffff;
	[tilespmem:v0+s20+$0xFFFFFFF0 ss:$0x1] =	vst.idx.msk $0xffff, v7  }
0x13: {  	v61 =	vld.idx.msk [tilespmem:v1+s19+$0x0 ss:$0x1], $0xffff;
	[tilespmem:v0+s19+$0x0 ss:$0x1] =	vst.idx.msk $0xffff, v56  }
0x14: {  	v62 =	vld.idx.msk [tilespmem:v1+s19+$0x10 ss:$0x1], $0xffff;
	[tilespmem:v0+s19+$0xFFFFFF90 ss:$0x1] =	vst.idx.msk $0xffff, v57  }
0x15: {  	s17 =	sshll.u32 s17, $0x7;
	v63 =	vld.idx.msk [tilespmem:v1+s19+$0x20 ss:$0x1], $0xffff;
	s29 =	sand.u32 $0x78, s14;
	[tilespmem:v0+s19+$0xFFFFFFA0 ss:$0x1] =	vst.idx.msk $0xffff, v58  }
0x16: {  	s30 =	sshll.u32 s14, $0x3;
	s16 =	sshll.u32 s16, $0x10;
	s17 =	sand.u32 $0x380, s17;
	[tilespmem:v0+s19+$0xFFFFFFB0 ss:$0x1] =	vst.idx.msk $0xffff, v59  }
0x17: {  	s15 =	sshll.u32 s15, $0x8;
	s20 =	sand.u32 $0x400, s30;
	s17 =	sor.u32 s29, s17;
	[tilespmem:v0+s19+$0xFFFFFFC0 ss:$0x1] =	vst.idx.msk $0xffff, v60  }
0x18: {  	s31 =	sand.u32 $0x7, s14;
	s16 =	sadd.s32 s3, s16;
	s17 =	sor.u32 s20, s17;
	[tilespmem:v0+s19+$0xFFFFFFD0 ss:$0x1] =	vst.idx.msk $0xffff, v61  }
0x19: {  	s14 =	sshll.u32 s31, $0x12;
	s15 =	sadd.s32 s15, s16;
	s17 =	sshrl.u32 s17, $0x3;
	[tilespmem:v0+s19+$0xFFFFFFE0 ss:$0x1] =	vst.idx.msk $0xffff, v62  }
0x1a: {  	s14 =	sor.u32 $0x80, s14;
	[tilespmem:v0+s19+$0xFFFFFFF0 ss:$0x1] =	vst.idx.msk $0xffff, v63;
	s15 =	sadd.s32 s17, s15  }
0x1b: {  	[hbm4b:s15+s14] =	stream.strided.scatter [tilespmem:s18], [sflag:$0x2], $0x4000, s8, s14, $0x38;
	[tilespmem:$0x10000] =	vst v63  }
.LBB1_5:
0x1c: {  	s18 =	sadd.s32 $0x80, s10  }
0x1d: {  	s14 =	sadd.s32 $0x80, s11;
	s19 =	smov.u32 s11;
	p2 =	sgt.s32 s18, $0xFF  }
0x1e: {  	s19 =	smov.u32 @p2 s14  }
0x1f: {  	s20 =	smov.u32 s12;
	s14 =	sadd.s32 $0x2, s12;
	p3 =	sgt.s32 s19, $0xFF  }
0x20: {  	s20 =	smov.u32 @p3 s14  }
0x21: {  	s21 =	smov.u32 s13;
	s14 =	sadd.s32 $0x10, s13;
	p4 =	sgt.s32 s20, $0x7  }
0x22: {  	p1 =	slt.u32 s9, $0x2;
	s21 =	smov.u32 @p4 s14  }
0x23: {  	s9 =	sadd.s32 $0x1, s9;
	s18 =	simm.s32 @p2 $0x0;
	p2 =	sgt.s32 s21, $0xF  }
0x24: {  	s22 =	simm.s32 @!p1 $0x2;
	s21 =	smov.u32 @p2 s1;
	p2 =	sne.s32 s9, s7  }
.Ltmp1:
0x25: {  	s15 =	smov.u32 s11;
	_ =	swait.ge @!p1 [sflag:s22], $0x4000;
	(pc) =	sbr.rel @!p2 .LBB1_6-.Ltmp1, $4  }
0x26: {  	s17 =	smov.u32 s12;
	s16 =	smov.u32 s13;
	[sflag:s22] =	ssyncset.done @!p1 $0x0  }
0x27: {  	p0 =	por !p0, !p0;
	s19 =	simm.s32 @p3 $0x0;
	[sflag:s22] =	ssyncadd.s32 @!p1 $0xFFFFC000  }
0x28: {  	s11 =	smov.u32 s19;
	s20 =	smov.u32 @p4 s4;
	s14 =	smov.u32 s10  }
0x29: {  	s10 =	smov.u32 s18;
	s12 =	smov.u32 s20;
	s13 =	smov.u32 s21  }
.LBB1_1:
0x2a: {  	p1 =	sge.u32 s9, s6;
	s31 =	sadd.s32 $0xFFFFFFFF, s9  }
0x2b: {  	s18 =	sxor.u32 @!p1 $0xFFFFFFFF, s9;
	s19 =	sand.u32 @!p1 $0x78, s10;
	s20 =	sshll.u32 @!p1 s11, $0x8  }
0x2c: {  	s21 =	sshll.u32 @!p1 s10, $0x3;
	s22 =	sshll.u32 @!p1 s11, $0x7;
	s18 =	sshll.u32 @!p1 s18, $0xE  }
0x2d: {  	s20 =	sand.u32 @!p1 $0xF800, s20;
	s21 =	sand.u32 @!p1 $0xFC00, s21;
	s18 =	sand.u32 @!p1 $0x4000, s18  }
0x2e: {  	s20 =	sadd.s32 @!p1 s20, s21;
	s21 =	sand.u32 @!p1 $0x300, s22;
	s22 =	sand.u32 @!p1 $0x80, s22  }
0x2f: {  	s20 =	sor.u32 @!p1 s21, s20;
	s19 =	sor.u32 @!p1 s19, s22;
	s21 =	sshll.u32 @!p1 s13, $0x10  }
0x30: {  	s22 =	sshll.u32 @!p1 s12, $0xD;
	s20 =	sshrl.u32 @!p1 s20, $0x3;
	s21 =	sadd.s32 @!p1 s2, s21  }
0x31: {  	s19 =	sshrl.u32 @!p1 s19, $0x3;
	s21 =	sadd.s32 @!p1 s22, s21;
	s22 =	sand.u32 @!p1 $0x7, s10  }
0x32: {  	s20 =	sand.u32 @!p1 $0x1FE0, s20;
	s19 =	sadd.s32 @!p1 s19, s21;
	s21 =	sshll.u32 @!p1 s22, $0x12  }
0x33: {  	s19 =	sadd.s32 @!p1 s20, s19;
	s20 =	sor.u32 @!p1 $0x400, s21;
	s21 =	simm.s32 @!p1 $0x800  }
0x34: {  	[tilespmem:s18], [sflag:$0x1] =	stream.strided.gather @!p1 [hbm4b:s19+s20], $0x4000, s21, s20, $0x38;
	[tilespmem:$0x10000] =	vst v63  }
0x35: {  	p1 =	sge.u32 s31, s6  }
.Ltmp2:
0x36: {  	_ = 	snop;
	(pc) =	sbr.rel @p1 .LBB1_5-.Ltmp2, $1  }
0x37: {  	_ =	sdelay $0x3  }
0x38: {  	s18 =	simm.s32 $0x1  }
0x39: {  	s18 =	simm.s32 @!p0 $0x0  }
0x3a: {  	s18 =	sshll.u32 s18, $0xE  }
0x3b: {  	s19 =	sor.u32 $0x40, s18  }
0x3c: {  	v1 =	vmov s19;
	_ =	sdelay $0x1  }
0x3d: {  	_ =	swait.ge [sflag:s5], $0x4000  }
0x3e: {  	[sflag:s5] =	ssyncset.done $0x0  }
0x3f: {  	s20 =	simm.s32 $0x0;
	[sflag:s5] =	ssyncadd.s32 $0xFFFFC000  }
0x40: {  	s18 =	sor.u32 $0x8070, s18;
	v7 =	vld.idx.msk [tilespmem:v1+s20+$0x30 ss:$0x1], $0xffff  }
0x41: {  	v0 =	vmov s18;
	v8 =	vld.idx.msk [tilespmem:v1+s20+$0xFFFFFFC0 ss:$0x1], $0xffff  }
0x42: {  	v6 =	vld.idx.msk [tilespmem:v1+s20+$0xFFFFFFD0 ss:$0x1], $0xffff  }
0x43: {  	v4 =	vld.idx.msk [tilespmem:v1+s20+$0xFFFFFFE0 ss:$0x1], $0xffff  }
0x44: {  	v2 =	vld.idx.msk [tilespmem:v1+s20+$0xFFFFFFF0 ss:$0x1], $0xffff  }
0x45: {  	s31 =	sshll.u32 s9, $0xE;
	v3 =	vld.idx.msk [tilespmem:v1+s20+$0x0 ss:$0x1], $0xffff  }
0x46: {  	s18 =	sand.u32 $0x4000, s31;
	v5 =	vld.idx.msk [tilespmem:v1+s20+$0x10 ss:$0x1], $0xffff;
	[tilespmem:v0+s20+$0x0 ss:$0x1] =	vst.idx.msk $0xffff, v7  }
0x47: {  	s21 =	simm.s32 $0x400;
	s19 =	simm.s32 $0x80;
	s18 =	sor.u32 $0x8000, s18;
	[tilespmem:v0+s20+$0xFFFFFF90 ss:$0x1] =	vst.idx.msk $0xffff, v8;
	v7 =	vld.idx.msk [tilespmem:v1+s20+$0x20 ss:$0x1], $0xffff  }
.LBB1_3:
0x48: {  	p1 =	sne.s32 s21, $0xFE00;
	v8 =	vld.idx.msk [tilespmem:v1+s19+$0x30 ss:$0x1], $0xffff;
	[tilespmem:v0+s20+$0xFFFFFFA0 ss:$0x1] =	vst.idx.msk $0xffff, v6  }
0x49: {  	v9 =	vld.idx.msk [tilespmem:v1+s19+$0xFFFFFFC0 ss:$0x1], $0xffff;
	[tilespmem:v0+s20+$0xFFFFFFB0 ss:$0x1] =	vst.idx.msk $0xffff, v4  }
0x4a: {  	v6 =	vld.idx.msk [tilespmem:v1+s19+$0xFFFFFFD0 ss:$0x1], $0xffff;
	[tilespmem:v0+s20+$0xFFFFFFC0 ss:$0x1] =	vst.idx.msk $0xffff, v2  }
.Ltmp3:
0x4b: {  	v4 =	vld.idx.msk [tilespmem:v1+s19+$0xFFFFFFE0 ss:$0x1], $0xffff;
	[tilespmem:v0+s20+$0xFFFFFFD0 ss:$0x1] =	vst.idx.msk $0xffff, v3;
	(pc) =	sbr.rel @p1 .LBB1_3-.Ltmp3, $4  }
0x4c: {  	v2 =	vld.idx.msk [tilespmem:v1+s19+$0xFFFFFFF0 ss:$0x1], $0xffff;
	[tilespmem:v0+s20+$0xFFFFFFE0 ss:$0x1] =	vst.idx.msk $0xffff, v5  }
0x4d: {  	v3 =	vld.idx.msk [tilespmem:v1+s19+$0x0 ss:$0x1], $0xffff;
	[tilespmem:v0+s20+$0xFFFFFFF0 ss:$0x1] =	vst.idx.msk $0xffff, v7;
	s20 =	smov.u32 s19  }
0x4e: {  	v5 =	vld.idx.msk [tilespmem:v1+s20+$0x10 ss:$0x1], $0xffff;
	[tilespmem:v0+s20+$0x0 ss:$0x1] =	vst.idx.msk $0xffff, v8  }
0x4f: {  	s19 =	sshra.s32 s21, $0x2;
	s21 =	sadd.s32 $0x200, s21;
	[tilespmem:v0+s20+$0xFFFFFF90 ss:$0x1] =	vst.idx.msk $0xffff, v9;
	v7 =	vld.idx.msk [tilespmem:v1+s20+$0x20 ss:$0x1], $0xffff  }
.Ltmp4:
0x50: {  	_ = 	snop;
	(pc) =	sbr.rel .LBB1_4-.Ltmp4, $1  }
0x51: {  	_ =	sdelay $0x3  }
.LBB1_6:
0x52: {  	_ =	sfence.sel $0x180000  }
0x53: {  	s2 =	simm.s32 $0x1;
	[bflag:$0x0] =	sbarrier.arrive $0xFFFF  }
0x54: {  	s31 =	simm.s32 $0x2;
	[sflag:s2] =	ssyncpa.u1 $0x1  }
0x55: {  	[sflag:s31] =	ssyncpa.u1 $0x1  }
0x56: {  	p0 =	sne.s32 s1, $0x0;
	_ =	strace $0x90000047  }
0x57: {  	s0 =	sadd.s32 @!p0 $0x100000, s0;
	[bflag:$0x2] =	sbarrier.arrive $0xFFFF  }
0x58: {  	[sflag:s0] =	ssyncadd.tile.s32 @!p0 $0x1;
	_ =	shalt  }
.Lfunc_end1:
_tile_overlayer_lowered:
.L_overlay_start_2:
0x59: {  	(tag) =	ssettag $0x2  }
0x5a: {  	s0 =	rddreg [dreg:$0x0];
	s2 =	stileid.u32  }
0x5b: {  	s1 =	rddreg [dreg:$0x1];
	p0 =	sne.s32 s2, $0x0  }
0x5c: {  	s3 =	rddreg [dreg:$0x2];
	[bflag:$0x3] =	sbarrier.arrive $0xFFFF;
	s2 =	simm.s32 @!p0 $0x1C01  }
0x5d: {  	[timem:s3], [sflag:s2] =	dma.local @!p0 [hbm:s0], s1  }
0x5e: {  	s0 =	simm.s32 @!p0 $0x1  }
0x5f: {  	_ =	swait.ge @!p0 [sflag:s0], s1  }
0x60: {  	s1 =	ssub.s32 @!p0 $0x0, s1;
	[sflag:s0] =	ssyncset.done @!p0 $0x0  }
0x61: {  	[sflag:s0] =	ssyncadd.s32 @!p0 s1  }
0x62: {  	[bflag:$0x3] =	sbarrier.arrive $0xFFFF  }
0x63: {  	_ =	shalt  }

// kernel: sparse-core-data-format-call.cloned.1.call-start
scs
called_computation_lowered:
.L_overlay_start_0:
0x0: {  	s2 =	sld [smem:$0x3FD9]  }
0x1: {  	s3 =	sld [smem:$0x3FFE];
	_ =	sdelay $0x1  }
0x2: {  	s1 =	srdreg.scid  }
0x3: {  	s0 =	sand.u32 $0x1, s1  }
0x4: {  	s18 =	sshll.u32 s0, $0xA;
	s2 =	sadd.s32 s3, s2  }
0x5: {  	s2 =	sadd.s32 s2, s18  }
0x6: {  	[smem:$0x3FC5] =	sst s2  }
0x7: {  	_ = 	snop  }
0x8: {  	s2 =	sld [smem:$0x3FD0];
	(tm) =	ssettm $0x1  }
0x9: {  	s19 =	sld [smem:$0x3FFB];
	_ =	sdelay $0x3  }
0xa: {  	_ =	strace s19  }
0xb: {  	s3 =	sld [smem:$0x3FFC];
	_ =	sdelay $0x3  }
0xc: {  	_ =	strace s3  }
0xd: {  	s3 =	sld [smem:$0x3FFD];
	_ =	sdelay $0x3  }
0xe: {  	_ =	strace s3  }
0xf: {  	_ =	strace $0x8FFFFFFF  }
0x10: {  	s20 =	sld [smem:$0x3FDB];
	_ =	sdelay $0x1  }
0x11: {  	s4 =	simm.s32 $_scs_section_size  }
0x12: {  	s5 =	simm.s32 $_size__tile_overlayer_lowered;
	s6 =	simm.s32 $_tile_overlayer_lowered  }
0x13: {  	s23 =	simm.s32 $0x1BFF;
	s22 =	sshll.u32 s6, $0x1;
	s3 =	sadd.s32 s4, s20  }
0x14: {  	s7 =	simm.s32 $0x0;
	s21 =	sshll.u32 s5, $0x1;
	s5 =	sadd.s32 s22, s3  }
0x15: {  	[timem:s7], [sflag:s23] =	dma.local [hbm:s5], s21  }
0x16: {  	_ =	swait.ge [sflag:s23], s21  }
0x17: {  	s4 =	ssub.s32 $0x0, s21;
	[sflag:s23] =	ssyncset.done $0x0  }
0x18: {  	[sflag:s23] =	ssyncadd.s32 s4;
	_ =	sdelay $0x1  }
0x19: {  	s24 =	simm.s32 $0x1B8B  }
0x1a: {  	_ =	swait.ge [sflag:s24], $0x1  }
0x1b: {  	[sflag:s24] =	ssyncset.done $0x0  }
0x1c: {  	s26 =	simm.s32 $0x1B8E;
	s25 =	sld [smem:$0x3FFE];
	[sflag:s24] =	ssyncadd.s32 $0xFFFFFFFF  }
0x1d: {  	s27 =	simm.s32 $execute0_lowered;
	[smem:$0x3FD2] =	sst s26  }
0x1e: {  	s5 =	sshll.u32 s27, $0x1;
	_ =	strace $0x80000049;
	[dreg:$0x1] =	wrdreg $0xFFFFFFFF  }
0x1f: {  	s28 =	simm.s32 $_size_execute0_lowered;
	s3 =	sadd.s32 s3, s5;
	[dreg:$0x0] =	wrdreg $0x0  }
0x20: {  	s5 =	sshll.u32 s28, $0x1;
	[dreg:$0x2] =	wrdreg s3  }
0x21: {  	[dreg:$0x3] =	wrdreg s5  }
0x22: {  	[dreg:$0x4] =	wrdreg $0xC0  }
0x23: {  	_ =	task [dreg:s7], $0x5FFFF  }
0x24: {  	[dreg:$0x1] =	wrdreg $0xFFFFFFFF  }
0x25: {  	[dreg:$0x0] =	wrdreg $0x60  }
0x26: {  	[dreg:$0x2] =	wrdreg s25  }
0x27: {  	[dreg:$0x3] =	wrdreg s2  }
0x28: {  	[dreg:$0x4] =	wrdreg $0x9  }
0x29: {  	_ =	task.clear_ibuf [dreg:s7], $0x5FFFF;
	_ =	strace $0x90000049  }
0x2a: {  	s29 =	simm.s32 $0x9;
	_ =	strace $0x8000004B  }
0x2b: {  	_ =	swait.ge [sflag:s29], $0x1  }
0x2c: {  	[sflag:s29] =	ssyncadd.s32 $0xFFFFFFFF  }
0x2d: {  	_ =	strace $0x9000004B  }
0x2e: {  	_ =	sfence  }
0x2f: {  	s30 =	sld [smem:$0x0];
	_ =	sdelay $0x2  }
0x30: {  	s31 =	sshll.u32 s1, $0xD;
	s1 =	sshrl.u32 s1, $0x2  }
0x31: {  	s3 =	sand.u32 $0x4000, s31;
	s1 =	sadd.s32 s1, s30  }
0x32: {  	s0 =	sor.u32 s3, s0;
	s1 =	sshll.u32 s1, $0x11  }
0x33: {  	s0 =	sor.u32 s1, s0  }
0x34: {  	s0 =	sadd.s32 $0x8F2B, s0  }
0x35: {  	[sflag:s0] =	ssyncadd.remote.s32 $0x1  }
0x36: {  	_ =	sfence.sel $0xFFFF  }
0x37: {  	[dreg:$0x0] =	wrdreg $0xFFFFFFFF;
	(pc) =	sbr.abs _section_cstart, $3  }
0x38: {  	[dreg:$0x1] =	wrdreg $0xFFFFFFFF  }
0x39: {  	_ =	task.clear_ibuf [dreg:s7], $0x2FFFF;
	_ =	strace $0x9FFFFFFF  }
0x3a: {  	(tm) =	ssettm $0x7FFFFFFF  }
0x3b: {  	_ =	shalt  }
tec
execute0_lowered:
.L_overlay_start_1:
0x0: {  	(tag) =	ssettag $0x1  }
0x1: {  	s1 =	rddreg [dreg:$0x0];
	s0 =	srdreg.scid  }
0x2: {  	s2 =	rddreg [dreg:$0x1];
	s5 =	simm.s32 $0x1;
	s8 =	simm.s32 $0x2  }
0x3: {  	s14 =	simm.s32 $0x0;
	s9 =	simm.s32 $0x10000;
	s10 =	simm.s32 $0x0  }
0x4: {  	s15 =	simm.s32 $0x0;
	s12 =	stileid.u32;
	s3 =	sshll.u32 s0, $0x3  }
0x5: {  	s13 =	simm.s32 $0x0;
	s21 =	simm.s32 $0x0;
	s3 =	sand.u32 $0x8, s3  }
.Ltmp0:
0x6: {  	s0 =	rddreg [dreg:$0x2];
	s6 =	ssub.s32 $0x100, s3;
	(pc) =	sbr.rel .LBB1_1-.Ltmp0, $4  }
0x7: {  	_ =	strace $0x8000004A;
	s4 =	sadd.s32 $0xA00, s1;
	s7 =	sshrl.u32 s6, $0x3  }
0x8: {  	[sflag:s5] =	ssyncpa.u1 $0x0;
	s6 =	sshrl.u32 s6, $0x4;
	s7 =	sand.u32 $0x1, s7  }
0x9: {  	s1 =	stileid.u32;
	[sflag:s8] =	ssyncpa.u1 $0x0;
	s6 =	sadd.s32 s6, s7  }
0xa: {  	s8 =	simm.s32 $0x800;
	s11 =	smov.u32 s3;
	s7 =	sadd.s32 $0x1, s6  }
.LBB1_7:
0xb: {  	s16 =	sadd.s32 $0x10, s11  }
0xc: {  	s14 =	sadd.s32 $0x10, s12;
	s18 =	smov.u32 s12;
	p1 =	sgt.s32 s16, $0xFF  }
0xd: {  	s18 =	smov.u32 @p1 s14  }
0xe: {  	s16 =	smov.u32 @p1 s3;
	p1 =	sgt.s32 s18, $0xF  }
0xf: {  	s18 =	smov.u32 @p1 s1;
	p1 =	sne.s32 s13, s7  }
.Ltmp1:
0x10: {  	p0 =	slt.u32 s13, $0x2;
	(pc) =	sbr.rel @!p1 .LBB1_8-.Ltmp1, $4  }
0x11: {  	s17 =	simm.s32 @!p0 $0x2  }
0x12: {  	s15 =	smov.u32 s12;
	s10 =	sadd.s32 $0x4000, s10;
	_ =	swait.ge @!p0 [sflag:s17], $0x4000  }
0x13: {  	s14 =	smov.u32 s11;
	[sflag:s17] =	ssyncset.done @!p0 $0x0;
	s11 =	smov.u32 s16  }
0x14: {  	s13 =	sadd.s32 $0x1, s13;
	[sflag:s17] =	ssyncadd.s32 @!p0 $0xFFFFC000;
	s12 =	smov.u32 s18  }
.LBB1_1:
0x15: {  	p0 =	sge.u32 s13, s6  }
0x16: {  	s31 =	sadd.s32 $0xFFFFFFFF, s13;
	s16 =	sxor.u32 @!p0 $0xFFFFFFFF, s13;
	s17 =	sshll.u32 @!p0 s12, $0x10  }
0x17: {  	s18 =	sshll.u32 @!p0 s11, $0x8;
	s16 =	sshll.u32 @!p0 s16, $0xE;
	s17 =	sadd.s32 @!p0 s4, s17  }
0x18: {  	s16 =	sand.u32 @!p0 $0x4000, s16;
	s17 =	sadd.s32 @!p0 s18, s17;
	s18 =	simm.s32 @!p0 $0x0  }
0x19: {  	[tilespmem:s16], [sflag:$0x1] =	stream.linear.gather @!p0 [hbm4b:s17+s18], $0x4000, $0x38;
	[tilespmem:$0x10000] =	vst v63  }
0x1a: {  	p0 =	sge.u32 s31, s6  }
.Ltmp2:
0x1b: {  	_ = 	snop;
	(pc) =	sbr.rel @p0 .LBB1_7-.Ltmp2, $1  }
0x1c: {  	_ =	sdelay $0x3  }
0x1d: {  	s16 =	sshll.u32 s10, $0x2;
	_ =	swait.ge [sflag:s5], $0x4000;
	s31 =	sshll.u32 s13, $0xE  }
0x1e: {  	p0 =	por $0x0, $0x0;
	s22 =	simm.s32 $0x0;
	s23 =	simm.s32 $0x0  }
0x1f: {  	s16 =	sand.u32 $0x10000, s16;
	[sflag:s5] =	ssyncset.done $0x0;
	s19 =	sand.u32 $0x4000, s31  }
0x20: {  	s20 =	sshrl.u32 s16, $0x2;
	[sflag:s5] =	ssyncadd.s32 $0xFFFFC000;
	s16 =	sor.u32 $0x8000, s19  }
0x21: {  	s17 =	sor.u32 $0x40, s20;
	s18 =	sor.u32 $0x8410, s20;
	s20 =	sadd.s32 $0x8400, s20  }
.LBB1_3:
0x22: {  	v1 =	vld [tilespmem:s17+$0xFFFFFFD0]  }
0x23: {  	v2 =	vld [tilespmem:s17+$0x430]  }
0x24: {  	s24 =	sshll.u32 s23, $0xB;
	v4 =	vld [tilespmem:s17+$0xFFFFFFE0]  }
0x25: {  	v7 =	vld [tilespmem:s17+$0xFFFFFFF0];
	v0 =	vmov s24  }
0x26: {  	v8 =	vld [tilespmem:s17+$0x0]  }
0x27: {  	s30 =	sand.u32 $0x300, s21;
	v9 =	vld [tilespmem:s17+$0x10]  }
0x28: {  	s25 =	sand.u32 $0x80, s21;
	v10 =	vld [tilespmem:s17+$0x20];
	s24 =	sadd.s32 s30, s19  }
0x29: {  	v11 =	vld [tilespmem:s17+$0x30];
	s24 =	sadd.s32 s25, s24;
	s25 =	simm.s32 $0x1;
	[tilespmem:s18+$0x60] =	vst v2  }
0x2a: {  	s31 =	sshll.u32 s22, $0x2;
	s25 =	simm.s32 @!p0 $0x0;
	[tilespmem:s18+$0xFFFFFC00] =	vst v1;
	v3 =	vld.idx.msk [tilespmem:v0+s24+$0x400 ss:$0x1], $0xffff  }
0x2b: {  	v6 =	vld [tilespmem:s17+$0x3D0];
	s25 =	sshll.u32 s25, $0x9;
	[tilespmem:s18+$0xFFFFFC10] =	vst v4;
	s24 =	sand.u32 $0xFFFFFC00, s31  }
0x2c: {  	v5 =	vld [tilespmem:s17+$0x3E0];
	[tilespmem:s18+$0xFFFFFC20] =	vst v7;
	s24 =	sor.u32 s25, s24  }
0x2d: {  	[tilespmem:s18+$0xFFFFFC30] =	vst v8;
	v4 =	vld [tilespmem:s17+$0x400];
	s24 =	sshrl.u32 s24, $0x2  }
0x2e: {  	[tilespmem:s18+$0xFFFFFC40] =	vst v9;
	v1 =	vld [tilespmem:s17+$0x410];
	s24 =	sadd.s32 s24, s20  }
0x2f: {  	[tilespmem:s24+$0x0] =	vst v3;
	v3 =	vld [tilespmem:s17+$0x3F0]  }
0x30: {  	s28 =	simm.s32 $0x80;
	s27 =	simm.s32 $0x100;
	[tilespmem:s18+$0xFFFFFC50] =	vst v10;
	v2 =	vld [tilespmem:s17+$0x420]  }
0x31: {  	s26 =	smov.u32 s18;
	s29 =	sand.u32 $0x300, s28;
	v7 =	vld [tilespmem:s17+$0xFFFFFFC0];
	[tilespmem:s18+$0xFFFFFC60] =	vst v11;
	s25 =	sadd.s32 $0x80, s17  }
.LBB1_4:
0x32: {  	p1 =	sne.s32 s27, $0x380;
	v8 =	vld [tilespmem:s25+$0xFFFFFFD0];
	s28 =	sand.u32 $0x80, s28;
	s29 =	sadd.s32 s29, s19;
	[tilespmem:s26+$0x0] =	vst v6  }
0x33: {  	s29 =	sadd.s32 s28, s29;
	v6 =	vld [tilespmem:s25+$0x430];
	[tilespmem:s26+$0x10] =	vst v5;
	s28 =	smov.u32 s27  }
0x34: {  	v5 =	vld.idx.msk [tilespmem:v0+s29+$0x400 ss:$0x1], $0xffff;
	[tilespmem:s26+$0x20] =	vst v3  }
0x35: {  	v3 =	vld [tilespmem:s25+$0xFFFFFFE0];
	[tilespmem:s26+$0x30] =	vst v4  }
0x36: {  	v4 =	vld [tilespmem:s25+$0xFFFFFFF0];
	[tilespmem:s26+$0xFFFFFBF0] =	vst v7  }
0x37: {  	v7 =	vld [tilespmem:s25+$0x0];
	[tilespmem:s26+$0x40] =	vst v1  }
0x38: {  	v1 =	vld [tilespmem:s25+$0x10];
	[tilespmem:s26+$0x50] =	vst v2;
	s26 =	sadd.s32 $0x800, s26  }
0x39: {  	s24 =	sadd.s32 $0x800, s24;
	v2 =	vld [tilespmem:s25+$0x20];
	[tilespmem:s26+$0x60] =	vst v6  }
0x3a: {  	v9 =	vld [tilespmem:s25+$0x30];
	[tilespmem:s24+$0x0] =	vst v5  }
0x3b: {  	[tilespmem:s26+$0xFFFFFC00] =	vst v8;
	v6 =	vld [tilespmem:s25+$0x3D0]  }
0x3c: {  	[tilespmem:s26+$0xFFFFFC10] =	vst v3;
	v5 =	vld [tilespmem:s25+$0x3E0]  }
.Ltmp3:
0x3d: {  	[tilespmem:s26+$0xFFFFFC20] =	vst v4;
	v3 =	vld [tilespmem:s25+$0x3F0];
	(pc) =	sbr.rel @p1 .LBB1_4-.Ltmp3, $4  }
0x3e: {  	[tilespmem:s26+$0xFFFFFC30] =	vst v7;
	v4 =	vld [tilespmem:s25+$0x400]  }
0x3f: {  	[tilespmem:s26+$0xFFFFFC40] =	vst v1;
	v1 =	vld [tilespmem:s25+$0x410]  }
0x40: {  	[tilespmem:s26+$0xFFFFFC50] =	vst v2;
	v2 =	vld [tilespmem:s25+$0x420]  }
0x41: {  	s27 =	sadd.s32 $0x80, s27;
	s29 =	sand.u32 $0x300, s28;
	v7 =	vld [tilespmem:s25+$0xFFFFFFC0];
	[tilespmem:s26+$0xFFFFFC60] =	vst v9;
	s25 =	sadd.s32 $0x80, s25  }
0x42: {  	[tilespmem:s26+$0x0] =	vst v6  }
0x43: {  	[tilespmem:s26+$0x10] =	vst v5  }
0x44: {  	v49 =	vld [tilespmem:s25+$0x430];
	[tilespmem:s26+$0x20] =	vst v3  }
0x45: {  	v50 =	vld [tilespmem:s25+$0xFFFFFFD0];
	[tilespmem:s26+$0x30] =	vst v4  }
0x46: {  	v51 =	vld [tilespmem:s25+$0xFFFFFFE0];
	[tilespmem:s26+$0x40] =	vst v1  }
0x47: {  	v52 =	vld [tilespmem:s25+$0xFFFFFFF0];
	[tilespmem:s26+$0x50] =	vst v2  }
0x48: {  	s31 =	sadd.s32 $0x800, s26;
	v53 =	vld [tilespmem:s25+$0x0];
	[tilespmem:s26+$0xFFFFFBF0] =	vst v7  }
0x49: {  	v54 =	vld [tilespmem:s25+$0x10];
	[tilespmem:s31+$0x60] =	vst v49  }
0x4a: {  	v55 =	vld [tilespmem:s25+$0x20];
	[tilespmem:s31+$0xFFFFFC00] =	vst v50  }
0x4b: {  	v56 =	vld [tilespmem:s25+$0x30];
	[tilespmem:s31+$0xFFFFFC10] =	vst v51  }
0x4c: {  	v57 =	vld [tilespmem:s25+$0x3D0];
	[tilespmem:s31+$0xFFFFFC20] =	vst v52  }
0x4d: {  	v58 =	vld [tilespmem:s25+$0x3E0];
	[tilespmem:s31+$0xFFFFFC30] =	vst v53  }
0x4e: {  	v59 =	vld [tilespmem:s25+$0x3F0];
	[tilespmem:s31+$0xFFFFFC40] =	vst v54  }
0x4f: {  	v60 =	vld [tilespmem:s25+$0x400];
	[tilespmem:s31+$0xFFFFFC50] =	vst v55  }
0x50: {  	v61 =	vld [tilespmem:s25+$0xFFFFFFC0];
	[tilespmem:s31+$0xFFFFFC60] =	vst v56  }
0x51: {  	s27 =	sand.u32 $0x80, s28;
	s30 =	sadd.s32 s29, s19;
	v62 =	vld [tilespmem:s25+$0x410];
	[tilespmem:s31+$0x0] =	vst v57  }
0x52: {  	v63 =	vld [tilespmem:s25+$0x420];
	s23 =	sadd.s32 $0x1, s23;
	s27 =	sadd.s32 s27, s30;
	[tilespmem:s31+$0x10] =	vst v58  }
0x53: {  	p1 =	sne.s32 s23, $0x8;
	v0 =	vld.idx.msk [tilespmem:v0+s27+$0x400 ss:$0x1], $0xffff;
	[tilespmem:s31+$0x20] =	vst v59  }
.Ltmp4:
0x54: {  	[tilespmem:s31+$0x30] =	vst v60;
	(pc) =	sbr.rel @p1 .LBB1_3-.Ltmp4, $4  }
0x55: {  	[tilespmem:s31+$0xFFFFFBF0] =	vst v61  }
0x56: {  	[tilespmem:s31+$0x40] =	vst v62  }
0x57: {  	s24 =	sadd.s32 $0x800, s24;
	s17 =	sadd.s32 $0x800, s17;
	[tilespmem:s31+$0x50] =	vst v63  }
0x58: {  	s22 =	sadd.s32 $0x80, s22;
	p0 =	por !p0, !p0;
	s18 =	sadd.s32 $0x80, s18;
	[tilespmem:s24+$0x0] =	vst v0  }
0x59: {  	s17 =	sshll.u32 s14, $0x8;
	s31 =	sshll.u32 s14, $0x7  }
.Ltmp5:
0x5a: {  	s17 =	sand.u32 $0xF800, s17;
	s14 =	sand.u32 $0x380, s31;
	(pc) =	sbr.rel .LBB1_7-.Ltmp5, $4  }
0x5b: {  	s15 =	sshll.u32 s15, $0x10;
	s14 =	sor.u32 s14, s17  }
0x5c: {  	s15 =	sadd.s32 s2, s15;
	s14 =	sshrl.u32 s14, $0x3  }
0x5d: {  	s14 =	sadd.s32 s14, s15  }
0x5e: {  	[hbm4b:s14+s8] =	stream.strided.scatter [tilespmem:s16], [sflag:$0x2], $0x4000, s9, s8, $0x38;
	[tilespmem:$0x10000] =	vst v63  }
.LBB1_8:
0x5f: {  	_ =	sfence.sel $0x180000  }
0x60: {  	s2 =	simm.s32 $0x1;
	[bflag:$0x0] =	sbarrier.arrive $0xFFFF  }
0x61: {  	s31 =	simm.s32 $0x2;
	[sflag:s2] =	ssyncpa.u1 $0x1  }
0x62: {  	[sflag:s31] =	ssyncpa.u1 $0x1  }
0x63: {  	p0 =	sne.s32 s1, $0x0;
	_ =	strace $0x9000004A  }
0x64: {  	s0 =	sadd.s32 @!p0 $0x100000, s0;
	[bflag:$0x2] =	sbarrier.arrive $0xFFFF  }
0x65: {  	[sflag:s0] =	ssyncadd.tile.s32 @!p0 $0x1;
	_ =	shalt  }
.Lfunc_end1:
_tile_overlayer_lowered:
.L_overlay_start_2:
0x66: {  	(tag) =	ssettag $0x2  }
0x67: {  	s0 =	rddreg [dreg:$0x0];
	s2 =	stileid.u32  }
0x68: {  	s1 =	rddreg [dreg:$0x1];
	p0 =	sne.s32 s2, $0x0  }
0x69: {  	s3 =	rddreg [dreg:$0x2];
	[bflag:$0x3] =	sbarrier.arrive $0xFFFF;
	s2 =	simm.s32 @!p0 $0x1C01  }
0x6a: {  	[timem:s3], [sflag:s2] =	dma.local @!p0 [hbm:s0], s1  }
0x6b: {  	s0 =	simm.s32 @!p0 $0x1  }
0x6c: {  	_ =	swait.ge @!p0 [sflag:s0], s1  }
0x6d: {  	s1 =	ssub.s32 @!p0 $0x0, s1;
	[sflag:s0] =	ssyncset.done @!p0 $0x0  }
0x6e: {  	[sflag:s0] =	ssyncadd.s32 @!p0 s1  }
0x6f: {  	[bflag:$0x3] =	sbarrier.arrive $0xFFFF  }
0x70: {  	_ =	shalt  }

</sc_bundles>
